<compile_context>
chip_gen: v7x
topology: tpu7x:2x2x1
jax: 0.10.2.dev20260603
libtpu: 0.0.44.dev20260713+nightly
codegen_flags: <defaults>
</compile_context>

<pallas_src>
import jax
import jax.numpy as jnp
from jax import lax
from jax.experimental import pallas as pl
from jax.experimental.pallas import tpu as pltpu
from jax.experimental.pallas import tpu_sc as plsc

B = 16384
D = 64
V = 100000
NUM_CORES = 2
NUM_SUBCORES = 16
NW = NUM_CORES * NUM_SUBCORES
ROWS_PER_W = D // NW
IDX_CHUNK = 8192
LANES = 16
UNROLL = 16


def _gather_body(idx_hbm, table_hbm, out_hbm, idx_v, row_v, out_v, sem, sem_i):
    wid = lax.axis_index("s") * NUM_CORES + lax.axis_index("c")
    zeros16 = jnp.zeros((LANES,), jnp.int32)

    idx_cp = pltpu.async_copy(idx_hbm, idx_v, sem_i)
    for r in range(ROWS_PER_W):
        jj = wid * ROWS_PER_W + r
        pltpu.async_copy(table_hbm.at[pl.ds(jj, 1), :], row_v, sem).wait()
        if r == 0:
            idx_cp.wait()
        for chunk in range(B // IDX_CHUNK):

            @plsc.parallel_loop(0, IDX_CHUNK // LANES, unroll=UNROLL)
            def body(i, chunk=chunk):
                o = i * LANES
                iv = idx_v[pl.ds(chunk * IDX_CHUNK + o, LANES)]
                vals = plsc.load_gather(row_v, [zeros16, iv])
                out_v[0, pl.ds(o, LANES)] = vals
            pltpu.sync_copy(
                out_v,
                out_hbm.at[pl.ds(jj, 1), pl.ds(chunk * IDX_CHUNK, IDX_CHUNK)],
            )


_sc_gather = pl.kernel(
    _gather_body,
    mesh=plsc.VectorSubcoreMesh(core_axis_name="c", subcore_axis_name="s"),
    out_type=jax.ShapeDtypeStruct((D, B), jnp.float32),
    scratch_types=[
        pltpu.VMEM((B,), jnp.int32),
        pltpu.VMEM((1, V), jnp.float32),
        pltpu.VMEM((1, IDX_CHUNK), jnp.float32),
        pltpu.SemaphoreType.DMA,
        pltpu.SemaphoreType.DMA,
    ],
    compiler_params=pltpu.CompilerParams(needs_layout_passes=False),
)


@jax.jit
def kernel(input, action_embedding):
    idx = input.reshape(B)
    out_t = _sc_gather(idx, action_embedding.T)
    return out_t.T

# --- scband reference (transcript-rebuilt; emitter-appended) ---
"""Pipeline reference for scband-embed-action-38543036514370 (READ-ONLY COPY).

The authoritative reference and input builder live on the scoring server;
editing this copy changes nothing except your own understanding.
"""

import jax, jax.numpy as jnp
import numpy as np


def setup_inputs(seed: int = 0) -> dict:
    key = jax.random.key(seed)
    k1, k2 = jax.random.split(key)
    inp = jax.random.randint(k1, (16384, 1), 0, 100000, dtype=jnp.int64 if jax.config.jax_enable_x64 else jnp.int32).astype(jnp.int32)
    action_embedding = jax.random.normal(k2, (100000, 64), dtype=jnp.float32)
    return {"input": inp, "action_embedding": action_embedding}


def reference(input, action_embedding):
    # idx = input[:, 0].to(torch.long)
    idx = input[:, 0].astype(jnp.int32)
    # output = self.action_embedding[idx]
    output = jnp.take(action_embedding, idx, axis=0)
    return output

if __name__ == "__main__":
    import jax
    _d = setup_inputs()
    print(jax.jit(kernel)(*tuple(_d.values())))

</pallas_src>

<mosaic_0001>
#map = affine_map<(d0, d1) -> (0)>
#map1 = affine_map<(d0, d1) -> (0, 0)>
module attributes {stable_mosaic.version = 14 : i64} {
  func.func @_gather_body(%arg0: i32, %arg1: i32, %arg2: memref<16384xi32, #tpu.memory_space<hbm>>, %arg3: memref<64x100000xf32, #tpu.memory_space<hbm>>, %arg4: memref<64x16384xf32, #tpu.memory_space<hbm>>, %arg5: memref<16384xi32, #tpu.memory_space<vmem>>, %arg6: memref<1x100000xf32, #tpu.memory_space<vmem>>, %arg7: memref<1x8192xf32, #tpu.memory_space<vmem>>, %arg8: memref<!tpu.dma_semaphore, #tpu.memory_space<semaphore_mem>>, %arg9: memref<!tpu.dma_semaphore, #tpu.memory_space<semaphore_mem>>) attributes {dimension_semantics = [#tpu.dimension_semantics<core_parallel>, #tpu.dimension_semantics<subcore_parallel>], iteration_bounds = array<i64: 2, 16>, scalar_prefetch = 0 : i64, scratch_operands = 5 : i64, tpu.core_type = #tpu.core_type<sc_vector_subcore>, window_params = [{transform_indices = #map}, {transform_indices = #map1}, {transform_indices = #map1}]} {
    %mul3A = arith.constant 2 : i32
    %mul3A_0 = arith.muli %arg1, %mul3A : i32
    %add3A = arith.addi %mul3A_0, %arg0 : i32
    %broadcast_in_dim3A = arith.constant 0 : i32
    %broadcast_in_dim3A_1 = vector.broadcast %broadcast_in_dim3A : i32 to vector<16xi32>
    tpu.enqueue_dma source(%arg2 : memref<16384xi32, #tpu.memory_space<hbm>>) target(%arg5 : memref<16384xi32, #tpu.memory_space<vmem>>) target_semaphore(%arg9 : memref<!tpu.dma_semaphore, #tpu.memory_space<semaphore_mem>>)
    %mul3A_2 = arith.constant 2 : i32
    %mul3A_3 = arith.muli %add3A, %mul3A_2 : i32
    %add3A_4 = arith.constant 0 : i32
    %add3A_5 = arith.addi %mul3A_3, %add3A_4 : i32
    %dma_start3A = arith.constant 0 : i32
    %dma_start3A_6 = tpu.memref_slice %arg3[%add3A_5, %dma_start3A] : memref<64x100000xf32, #tpu.memory_space<hbm>> -> memref<1x100000xf32, #tpu.memory_space<hbm>>
    %dma_start3A_7 = arith.constant 0 : i32
    %dma_start3A_8 = tpu.memref_slice %arg3[%add3A_5, %dma_start3A_7] : memref<64x100000xf32, #tpu.memory_space<hbm>> -> memref<1x100000xf32, #tpu.memory_space<hbm>>
    tpu.enqueue_dma source(%dma_start3A_8 : memref<1x100000xf32, #tpu.memory_space<hbm>>) target(%arg6 : memref<1x100000xf32, #tpu.memory_space<vmem>>) target_semaphore(%arg8 : memref<!tpu.dma_semaphore, #tpu.memory_space<semaphore_mem>>)
    %dma_wait3A = arith.constant 0 : i32
    %dma_wait3A_9 = tpu.memref_slice %arg3[%add3A_5, %dma_wait3A] : memref<64x100000xf32, #tpu.memory_space<hbm>> -> memref<1x100000xf32, #tpu.memory_space<hbm>>
    %dma_wait3A_10 = arith.constant 0 : i32
    %dma_wait3A_11 = tpu.memref_slice %arg3[%add3A_5, %dma_wait3A_10] : memref<64x100000xf32, #tpu.memory_space<hbm>> -> memref<1x100000xf32, #tpu.memory_space<hbm>>
    tpu.wait_dma2 semaphore(%arg8 : memref<!tpu.dma_semaphore, #tpu.memory_space<semaphore_mem>>) src(%dma_wait3A_11 : memref<1x100000xf32, #tpu.memory_space<hbm>>) dst(%arg6 : memref<1x100000xf32, #tpu.memory_space<vmem>>)
    tpu.wait_dma2 semaphore(%arg9 : memref<!tpu.dma_semaphore, #tpu.memory_space<semaphore_mem>>) src(%arg2 : memref<16384xi32, #tpu.memory_space<hbm>>) dst(%arg5 : memref<16384xi32, #tpu.memory_space<vmem>>)
    %parallel_loop3A = arith.constant 0 : i32
    %parallel_loop3A_12 = arith.constant 512 : i32
    %parallel_loop3A_13 = arith.constant 1 : i32
    scf.for %parallel_loop3A_35 = %parallel_loop3A to %parallel_loop3A_12 step %parallel_loop3A_13  : i32 {
      %parallel_loop3A_36 = arith.constant 16 : i32
      %parallel_loop3A_37 = arith.muli %parallel_loop3A_35, %parallel_loop3A_36 : i32
      %parallel_loop3A_38 = arith.constant 0 : i32
      %parallel_loop3A_39 = arith.addi %parallel_loop3A_38, %parallel_loop3A_37 : i32
      %parallel_loop3A_40 = arith.index_cast %parallel_loop3A_39 : i32 to index
      %parallel_loop3A_41 = tpu.vector_load %arg5[%parallel_loop3A_40] {strides = array<i32>} : memref<16384xi32, #tpu.memory_space<vmem>>, vector<16xi32>,
      %parallel_loop3A_42 = tpu.vector_load_idx %arg6[%broadcast_in_dim3A_1, %parallel_loop3A_41] : memref<1x100000xf32, #tpu.memory_space<vmem>>[vector<16xi32>, vector<16xi32>], vector<16xf32>,
      %parallel_loop3A_43 = arith.constant 0 : i32
      %parallel_loop3A_44 = arith.index_cast %parallel_loop3A_43 : i32 to index
      %parallel_loop3A_45 = arith.index_cast %parallel_loop3A_37 : i32 to index
      %parallel_loop3A_46 = tpu.vector_load %arg7[%parallel_loop3A_44, %parallel_loop3A_45] {strides = array<i32>} : memref<1x8192xf32, #tpu.memory_space<vmem>>, vector<16xf32>,
      tpu.vector_store %arg7[%parallel_loop3A_44, %parallel_loop3A_45], %parallel_loop3A_42 {strides = array<i32>} : memref<1x8192xf32, #tpu.memory_space<vmem>>, vector<16xf32>,
    } {sc.loop_unroll_factor = 16 : i64, sc.parallel_access}
    "tpu.region"() ({
      %run_scoped3A = tpu.sem_alloc : memref<!tpu.dma_semaphore, #tpu.memory_space<semaphore_mem>>
      %dma_start3A_35 = arith.constant 0 : i32
      %dma_start3A_36 = tpu.memref_slice %arg4[%add3A_5, %dma_start3A_35] : memref<64x16384xf32, #tpu.memory_space<hbm>> -> memref<1x8192xf32, #tpu.memory_space<hbm>>
      %dma_start3A_37 = arith.constant 0 : i32
      %dma_start3A_38 = tpu.memref_slice %arg4[%add3A_5, %dma_start3A_37] : memref<64x16384xf32, #tpu.memory_space<hbm>> -> memref<1x8192xf32, #tpu.memory_space<hbm>>
      tpu.enqueue_dma source(%arg7 : memref<1x8192xf32, #tpu.memory_space<vmem>>) target(%dma_start3A_38 : memref<1x8192xf32, #tpu.memory_space<hbm>>) target_semaphore(%run_scoped3A : memref<!tpu.dma_semaphore, #tpu.memory_space<semaphore_mem>>)
      %dma_wait3A_39 = arith.constant 0 : i32
      %dma_wait3A_40 = tpu.memref_slice %arg4[%add3A_5, %dma_wait3A_39] : memref<64x16384xf32, #tpu.memory_space<hbm>> -> memref<1x8192xf32, #tpu.memory_space<hbm>>
      %dma_wait3A_41 = arith.constant 0 : i32
      %dma_wait3A_42 = tpu.memref_slice %arg4[%add3A_5, %dma_wait3A_41] : memref<64x16384xf32, #tpu.memory_space<hbm>> -> memref<1x8192xf32, #tpu.memory_space<hbm>>
      tpu.wait_dma2 semaphore(%run_scoped3A : memref<!tpu.dma_semaphore, #tpu.memory_space<semaphore_mem>>) src(%arg7 : memref<1x8192xf32, #tpu.memory_space<vmem>>) dst(%dma_wait3A_42 : memref<1x8192xf32, #tpu.memory_space<hbm>>)
      tpu.yield
    }) : () -> ()
    %parallel_loop3A_14 = arith.constant 0 : i32
    %parallel_loop3A_15 = arith.constant 512 : i32
    %parallel_loop3A_16 = arith.constant 1 : i32
    scf.for %parallel_loop3A_35 = %parallel_loop3A_14 to %parallel_loop3A_15 step %parallel_loop3A_16  : i32 {
      %parallel_loop3A_36 = arith.constant 16 : i32
      %parallel_loop3A_37 = arith.muli %parallel_loop3A_35, %parallel_loop3A_36 : i32
      %parallel_loop3A_38 = arith.constant 8192 : i32
      %parallel_loop3A_39 = arith.addi %parallel_loop3A_38, %parallel_loop3A_37 : i32
      %parallel_loop3A_40 = arith.index_cast %parallel_loop3A_39 : i32 to index
      %parallel_loop3A_41 = tpu.vector_load %arg5[%parallel_loop3A_40] {strides = array<i32>} : memref<16384xi32, #tpu.memory_space<vmem>>, vector<16xi32>,
      %parallel_loop3A_42 = tpu.vector_load_idx %arg6[%broadcast_in_dim3A_1, %parallel_loop3A_41] : memref<1x100000xf32, #tpu.memory_space<vmem>>[vector<16xi32>, vector<16xi32>], vector<16xf32>,
      %parallel_loop3A_43 = arith.constant 0 : i32
      %parallel_loop3A_44 = arith.index_cast %parallel_loop3A_43 : i32 to index
      %parallel_loop3A_45 = arith.index_cast %parallel_loop3A_37 : i32 to index
      %parallel_loop3A_46 = tpu.vector_load %arg7[%parallel_loop3A_44, %parallel_loop3A_45] {strides = array<i32>} : memref<1x8192xf32, #tpu.memory_space<vmem>>, vector<16xf32>,
      tpu.vector_store %arg7[%parallel_loop3A_44, %parallel_loop3A_45], %parallel_loop3A_42 {strides = array<i32>} : memref<1x8192xf32, #tpu.memory_space<vmem>>, vector<16xf32>,
    } {sc.loop_unroll_factor = 16 : i64, sc.parallel_access}
    "tpu.region"() ({
      %run_scoped3A = tpu.sem_alloc : memref<!tpu.dma_semaphore, #tpu.memory_space<semaphore_mem>>
      %dma_start3A_35 = arith.constant 8192 : i32
      %dma_start3A_36 = tpu.memref_slice %arg4[%add3A_5, %dma_start3A_35] : memref<64x16384xf32, #tpu.memory_space<hbm>> -> memref<1x8192xf32, #tpu.memory_space<hbm>>
      %dma_start3A_37 = arith.constant 8192 : i32
      %dma_start3A_38 = tpu.memref_slice %arg4[%add3A_5, %dma_start3A_37] : memref<64x16384xf32, #tpu.memory_space<hbm>> -> memref<1x8192xf32, #tpu.memory_space<hbm>>
      tpu.enqueue_dma source(%arg7 : memref<1x8192xf32, #tpu.memory_space<vmem>>) target(%dma_start3A_38 : memref<1x8192xf32, #tpu.memory_space<hbm>>) target_semaphore(%run_scoped3A : memref<!tpu.dma_semaphore, #tpu.memory_space<semaphore_mem>>)
      %dma_wait3A_39 = arith.constant 8192 : i32
      %dma_wait3A_40 = tpu.memref_slice %arg4[%add3A_5, %dma_wait3A_39] : memref<64x16384xf32, #tpu.memory_space<hbm>> -> memref<1x8192xf32, #tpu.memory_space<hbm>>
      %dma_wait3A_41 = arith.constant 8192 : i32
      %dma_wait3A_42 = tpu.memref_slice %arg4[%add3A_5, %dma_wait3A_41] : memref<64x16384xf32, #tpu.memory_space<hbm>> -> memref<1x8192xf32, #tpu.memory_space<hbm>>
      tpu.wait_dma2 semaphore(%run_scoped3A : memref<!tpu.dma_semaphore, #tpu.memory_space<semaphore_mem>>) src(%arg7 : memref<1x8192xf32, #tpu.memory_space<vmem>>) dst(%dma_wait3A_42 : memref<1x8192xf32, #tpu.memory_space<hbm>>)
      tpu.yield
    }) : () -> ()
    %mul3A_17 = arith.constant 2 : i32
    %mul3A_18 = arith.muli %add3A, %mul3A_17 : i32
    %add3A_19 = arith.constant 1 : i32
    %add3A_20 = arith.addi %mul3A_18, %add3A_19 : i32
    %dma_start3A_21 = arith.constant 0 : i32
    %dma_start3A_22 = tpu.memref_slice %arg3[%add3A_20, %dma_start3A_21] : memref<64x100000xf32, #tpu.memory_space<hbm>> -> memref<1x100000xf32, #tpu.memory_space<hbm>>
    %dma_start3A_23 = arith.constant 0 : i32
    %dma_start3A_24 = tpu.memref_slice %arg3[%add3A_20, %dma_start3A_23] : memref<64x100000xf32, #tpu.memory_space<hbm>> -> memref<1x100000xf32, #tpu.memory_space<hbm>>
    tpu.enqueue_dma source(%dma_start3A_24 : memref<1x100000xf32, #tpu.memory_space<hbm>>) target(%arg6 : memref<1x100000xf32, #tpu.memory_space<vmem>>) target_semaphore(%arg8 : memref<!tpu.dma_semaphore, #tpu.memory_space<semaphore_mem>>)
    %dma_wait3A_25 = arith.constant 0 : i32
    %dma_wait3A_26 = tpu.memref_slice %arg3[%add3A_20, %dma_wait3A_25] : memref<64x100000xf32, #tpu.memory_space<hbm>> -> memref<1x100000xf32, #tpu.memory_space<hbm>>
    %dma_wait3A_27 = arith.constant 0 : i32
    %dma_wait3A_28 = tpu.memref_slice %arg3[%add3A_20, %dma_wait3A_27] : memref<64x100000xf32, #tpu.memory_space<hbm>> -> memref<1x100000xf32, #tpu.memory_space<hbm>>
    tpu.wait_dma2 semaphore(%arg8 : memref<!tpu.dma_semaphore, #tpu.memory_space<semaphore_mem>>) src(%dma_wait3A_28 : memref<1x100000xf32, #tpu.memory_space<hbm>>) dst(%arg6 : memref<1x100000xf32, #tpu.memory_space<vmem>>)
    %parallel_loop3A_29 = arith.constant 0 : i32
    %parallel_loop3A_30 = arith.constant 512 : i32
    %parallel_loop3A_31 = arith.constant 1 : i32
    scf.for %parallel_loop3A_35 = %parallel_loop3A_29 to %parallel_loop3A_30 step %parallel_loop3A_31  : i32 {
      %parallel_loop3A_36 = arith.constant 16 : i32
      %parallel_loop3A_37 = arith.muli %parallel_loop3A_35, %parallel_loop3A_36 : i32
      %parallel_loop3A_38 = arith.constant 0 : i32
      %parallel_loop3A_39 = arith.addi %parallel_loop3A_38, %parallel_loop3A_37 : i32
      %parallel_loop3A_40 = arith.index_cast %parallel_loop3A_39 : i32 to index
      %parallel_loop3A_41 = tpu.vector_load %arg5[%parallel_loop3A_40] {strides = array<i32>} : memref<16384xi32, #tpu.memory_space<vmem>>, vector<16xi32>,
      %parallel_loop3A_42 = tpu.vector_load_idx %arg6[%broadcast_in_dim3A_1, %parallel_loop3A_41] : memref<1x100000xf32, #tpu.memory_space<vmem>>[vector<16xi32>, vector<16xi32>], vector<16xf32>,
      %parallel_loop3A_43 = arith.constant 0 : i32
      %parallel_loop3A_44 = arith.index_cast %parallel_loop3A_43 : i32 to index
      %parallel_loop3A_45 = arith.index_cast %parallel_loop3A_37 : i32 to index
      %parallel_loop3A_46 = tpu.vector_load %arg7[%parallel_loop3A_44, %parallel_loop3A_45] {strides = array<i32>} : memref<1x8192xf32, #tpu.memory_space<vmem>>, vector<16xf32>,
      tpu.vector_store %arg7[%parallel_loop3A_44, %parallel_loop3A_45], %parallel_loop3A_42 {strides = array<i32>} : memref<1x8192xf32, #tpu.memory_space<vmem>>, vector<16xf32>,
    } {sc.loop_unroll_factor = 16 : i64, sc.parallel_access}
    "tpu.region"() ({
      %run_scoped3A = tpu.sem_alloc : memref<!tpu.dma_semaphore, #tpu.memory_space<semaphore_mem>>
      %dma_start3A_35 = arith.constant 0 : i32
      %dma_start3A_36 = tpu.memref_slice %arg4[%add3A_20, %dma_start3A_35] : memref<64x16384xf32, #tpu.memory_space<hbm>> -> memref<1x8192xf32, #tpu.memory_space<hbm>>
      %dma_start3A_37 = arith.constant 0 : i32
      %dma_start3A_38 = tpu.memref_slice %arg4[%add3A_20, %dma_start3A_37] : memref<64x16384xf32, #tpu.memory_space<hbm>> -> memref<1x8192xf32, #tpu.memory_space<hbm>>
      tpu.enqueue_dma source(%arg7 : memref<1x8192xf32, #tpu.memory_space<vmem>>) target(%dma_start3A_38 : memref<1x8192xf32, #tpu.memory_space<hbm>>) target_semaphore(%run_scoped3A : memref<!tpu.dma_semaphore, #tpu.memory_space<semaphore_mem>>)
      %dma_wait3A_39 = arith.constant 0 : i32
      %dma_wait3A_40 = tpu.memref_slice %arg4[%add3A_20, %dma_wait3A_39] : memref<64x16384xf32, #tpu.memory_space<hbm>> -> memref<1x8192xf32, #tpu.memory_space<hbm>>
      %dma_wait3A_41 = arith.constant 0 : i32
      %dma_wait3A_42 = tpu.memref_slice %arg4[%add3A_20, %dma_wait3A_41] : memref<64x16384xf32, #tpu.memory_space<hbm>> -> memref<1x8192xf32, #tpu.memory_space<hbm>>
      tpu.wait_dma2 semaphore(%run_scoped3A : memref<!tpu.dma_semaphore, #tpu.memory_space<semaphore_mem>>) src(%arg7 : memref<1x8192xf32, #tpu.memory_space<vmem>>) dst(%dma_wait3A_42 : memref<1x8192xf32, #tpu.memory_space<hbm>>)
      tpu.yield
    }) : () -> ()
    %parallel_loop3A_32 = arith.constant 0 : i32
    %parallel_loop3A_33 = arith.constant 512 : i32
    %parallel_loop3A_34 = arith.constant 1 : i32
    scf.for %parallel_loop3A_35 = %parallel_loop3A_32 to %parallel_loop3A_33 step %parallel_loop3A_34  : i32 {
      %parallel_loop3A_36 = arith.constant 16 : i32
      %parallel_loop3A_37 = arith.muli %parallel_loop3A_35, %parallel_loop3A_36 : i32
      %parallel_loop3A_38 = arith.constant 8192 : i32
      %parallel_loop3A_39 = arith.addi %parallel_loop3A_38, %parallel_loop3A_37 : i32
      %parallel_loop3A_40 = arith.index_cast %parallel_loop3A_39 : i32 to index
      %parallel_loop3A_41 = tpu.vector_load %arg5[%parallel_loop3A_40] {strides = array<i32>} : memref<16384xi32, #tpu.memory_space<vmem>>, vector<16xi32>,
      %parallel_loop3A_42 = tpu.vector_load_idx %arg6[%broadcast_in_dim3A_1, %parallel_loop3A_41] : memref<1x100000xf32, #tpu.memory_space<vmem>>[vector<16xi32>, vector<16xi32>], vector<16xf32>,
      %parallel_loop3A_43 = arith.constant 0 : i32
      %parallel_loop3A_44 = arith.index_cast %parallel_loop3A_43 : i32 to index
      %parallel_loop3A_45 = arith.index_cast %parallel_loop3A_37 : i32 to index
      %parallel_loop3A_46 = tpu.vector_load %arg7[%parallel_loop3A_44, %parallel_loop3A_45] {strides = array<i32>} : memref<1x8192xf32, #tpu.memory_space<vmem>>, vector<16xf32>,
      tpu.vector_store %arg7[%parallel_loop3A_44, %parallel_loop3A_45], %parallel_loop3A_42 {strides = array<i32>} : memref<1x8192xf32, #tpu.memory_space<vmem>>, vector<16xf32>,
    } {sc.loop_unroll_factor = 16 : i64, sc.parallel_access}
    "tpu.region"() ({
      %run_scoped3A = tpu.sem_alloc : memref<!tpu.dma_semaphore, #tpu.memory_space<semaphore_mem>>
      %dma_start3A_35 = arith.constant 8192 : i32
      %dma_start3A_36 = tpu.memref_slice %arg4[%add3A_20, %dma_start3A_35] : memref<64x16384xf32, #tpu.memory_space<hbm>> -> memref<1x8192xf32, #tpu.memory_space<hbm>>
      %dma_start3A_37 = arith.constant 8192 : i32
      %dma_start3A_38 = tpu.memref_slice %arg4[%add3A_20, %dma_start3A_37] : memref<64x16384xf32, #tpu.memory_space<hbm>> -> memref<1x8192xf32, #tpu.memory_space<hbm>>
      tpu.enqueue_dma source(%arg7 : memref<1x8192xf32, #tpu.memory_space<vmem>>) target(%dma_start3A_38 : memref<1x8192xf32, #tpu.memory_space<hbm>>) target_semaphore(%run_scoped3A : memref<!tpu.dma_semaphore, #tpu.memory_space<semaphore_mem>>)
      %dma_wait3A_39 = arith.constant 8192 : i32
      %dma_wait3A_40 = tpu.memref_slice %arg4[%add3A_20, %dma_wait3A_39] : memref<64x16384xf32, #tpu.memory_space<hbm>> -> memref<1x8192xf32, #tpu.memory_space<hbm>>
      %dma_wait3A_41 = arith.constant 8192 : i32
      %dma_wait3A_42 = tpu.memref_slice %arg4[%add3A_20, %dma_wait3A_41] : memref<64x16384xf32, #tpu.memory_space<hbm>> -> memref<1x8192xf32, #tpu.memory_space<hbm>>
      tpu.wait_dma2 semaphore(%run_scoped3A : memref<!tpu.dma_semaphore, #tpu.memory_space<semaphore_mem>>) src(%arg7 : memref<1x8192xf32, #tpu.memory_space<vmem>>) dst(%dma_wait3A_42 : memref<1x8192xf32, #tpu.memory_space<hbm>>)
      tpu.yield
    }) : () -> ()
    return
  }
}

</mosaic_0001>

<sc_bundles>
// kernel: kernel.3.cloned.1.call-start
scs
__scs_entry_jumppad:
0x0: {  	(pc) =	sbr.rel $0x88, $3  }
0x1: {  	(tag) =	ssettag $0x0;
	lr =	simm.s32 $0x1  }
0x2: {  	[smem:$0x3F9F] =	sst lr;
	_ =	strace $0xD0000000  }
0x3: {  	_ = 	snop  }
0x4: {  	_ = 	snop  }
0x5: {  	_ = 	snop  }
0x6: {  	_ = 	snop  }
0x7: {  	_ = 	snop  }
__scs_overlays_trampoline_lowered:
0x8: {  	[smem:$0x3FAE] =	sst s0  }
0x9: {  	[smem:$0x3FAF] =	sst s1  }
0xa: {  	[smem:$0x3FB0] =	sst s2  }
0xb: {  	[smem:$0x3FB1] =	sst s3  }
0xc: {  	[smem:$0x3FB2] =	sst s4  }
0xd: {  	[smem:$0x3FB3] =	sst s5  }
0xe: {  	[smem:$0x3FB4] =	sst s6  }
0xf: {  	[smem:$0x3FB5] =	sst s7  }
0x10: {  	[smem:$0x3FB6] =	sst s8  }
0x11: {  	[smem:$0x3FB7] =	sst s9;
	s0 =	simm.s32 @!p0 $0x0  }
0x12: {  	s1 =	sld [smem:$0x3F9D];
	s0 =	simm.s32 @p0 $0x1  }
0x13: {  	[smem:$0x3FB8] =	sst s0;
	s0 =	simm.s32 @!p1 $0x0  }
0x14: {  	s2 =	sld [smem:$0x3F9C];
	s0 =	simm.s32 @p1 $0x1  }
0x15: {  	[smem:$0x3FB9] =	sst s0;
	s0 =	simm.s32 @!p2 $0x0  }
0x16: {  	s3 =	sld [smem:$0x3FDB];
	s0 =	simm.s32 @p2 $0x1  }
0x17: {  	s4 =	simm.s32 $0x1BF5;
	[smem:$0x3FBB] =	sst s0  }
0x18: {  	s0 =	sld [smem:$0x3F9E];
	_ =	swait.ge [sflag:s4], $0x0  }
0x19: {  	s7 =	sld [smem:$0x3F9F]  }
0x1a: {  	s8 =	sadd.s32 $0xFFFFE003, lr  }
0x1b: {  	s9 =	sadd.s32 $0xFFFFFEF7, lr;
	s5 =	simm.s32 $0xFFFFFFFF;
	p2 =	slt.u32 s8, $0xFFFFF086  }
0x1c: {  	p1 =	slt.u32 s9, $0xF7A;
	s5 =	simm.s32 @!p2 $0x0  }
0x1d: {  	s5 =	simm.s32 @p1 $0x1;
	p0 =	seq.s32 s7, s2  }
0x1e: {  	s7 =	smul.u32 @!p0 $0xF7A, s2;
	p2 =	seq.s32 @!p0 s5, $0x0  }
0x1f: {  	s9 =	smul.u32 $0xF7A, s1;
	s8 =	simm.s32 @!p0 $0x1BF5;
	p2 =	por !p2, p0  }
0x20: {  	[sflag:s8] =	ssyncset.s32 @!p0 $0xFFFFF086;
	s6 =	sadd.s32 @!p0 s3, s7;
	s7 =	simm.s32 @!p0 $0x108  }
0x21: {  	s3 =	sadd.s32 s3, s9;
	s6 =	sadd.s32 @!p0 $0x88, s6;
	s7 =	simm.s32 @p2 $0x1082  }
0x22: {  	[simem:s7], [sflag:s8] =	dma.local @!p0 [hbm:s6], $0xF7A  }
0x23: {  	s9 =	sor.u32 $0xD0000000, s2;
	s6 =	simm.s32 $0x108;
	_ =	swait.ge @!p0 [sflag:s8], $0x0  }
0x24: {  	s3 =	sadd.s32 $0x88, s3;
	s6 =	simm.s32 @!p1 $0x1082;
	[sflag:s4] =	ssyncset.s32 $0xFFFFF086  }
0x25: {  	[simem:s6], [sflag:s4] =	dma.local [hbm:s3], $0xF7A  }
0x26: {  	[smem:$0x3F9F] =	sst s1;
	(tag) =	ssettag s2;
	_ =	strace s9  }
0x27: {  	s1 =	sld [smem:$0x3FAF]  }
0x28: {  	s2 =	sld [smem:$0x3FB0]  }
0x29: {  	s4 =	sld [smem:$0x3FB2]  }
0x2a: {  	p0 =	seq.s32 s5, $0x0;
	s5 =	sld [smem:$0x3FB3]  }
0x2b: {  	s6 =	sld [smem:$0x3FB4]  }
0x2c: {  	s7 =	sld [smem:$0x3FB5]  }
0x2d: {  	s3 =	simm.s32 $0x108;
	s8 =	sld [smem:$0x3FB6]  }
0x2e: {  	s3 =	simm.s32 @!p0 $0x1082;
	s9 =	sld [smem:$0x3FB7]  }
0x2f: {  	lr =	sadd.s32 s0, s3;
	s0 =	sld [smem:$0x3FAE]  }
0x30: {  	s3 =	sld [smem:$0x3FB1]  }
0x31: {  	[smem:$0x3FBA] =	sst s10  }
0x32: {  	s10 =	sld [smem:$0x3FB8];
	_ =	sdelay $0x3  }
0x33: {  	p0 =	seq.s32 s10, $0x1;
	s10 =	sld [smem:$0x3FBA];
	_ =	sdelay $0x3  }
0x34: {  	[smem:$0x3FBA] =	sst s10  }
0x35: {  	s10 =	sld [smem:$0x3FB9];
	_ =	sdelay $0x3  }
0x36: {  	p1 =	seq.s32 s10, $0x1;
	s10 =	sld [smem:$0x3FBA];
	_ =	sdelay $0x3  }
0x37: {  	[smem:$0x3FBA] =	sst s10  }
0x38: {  	s10 =	sld [smem:$0x3FBB]  }
0x39: {  	_ = 	snop;
	(pc) =	sbr.ind lr, $3  }
0x3a: {  	_ = 	snop  }
0x3b: {  	_ = 	snop  }
0x3c: {  	p2 =	seq.s32 s10, $0x1;
	s10 =	sld [smem:$0x3FBA]  }
0x3d: {  	_ =	shalt  }
0x3e: {  	_ =	shalt  }
0x3f: {  	_ =	shalt  }
0x40: {  	_ =	shalt  }
0x41: {  	_ =	shalt  }
0x42: {  	_ =	shalt  }
0x43: {  	_ =	shalt  }
0x44: {  	_ =	shalt  }
0x45: {  	_ =	shalt  }
0x46: {  	_ =	shalt  }
0x47: {  	_ =	shalt  }
0x48: {  	_ =	shalt  }
0x49: {  	_ =	shalt  }
0x4a: {  	_ =	shalt  }
0x4b: {  	_ =	shalt  }
0x4c: {  	_ =	shalt  }
0x4d: {  	_ =	shalt  }
0x4e: {  	_ =	shalt  }
0x4f: {  	_ =	shalt  }
0x50: {  	_ =	shalt  }
0x51: {  	_ =	shalt  }
0x52: {  	_ =	shalt  }
0x53: {  	_ =	shalt  }
0x54: {  	_ =	shalt  }
0x55: {  	_ =	shalt  }
0x56: {  	_ =	shalt  }
0x57: {  	_ =	shalt  }
0x58: {  	_ =	shalt  }
0x59: {  	_ =	shalt  }
0x5a: {  	_ =	shalt  }
0x5b: {  	_ =	shalt  }
0x5c: {  	_ =	shalt  }
0x5d: {  	_ =	shalt  }
0x5e: {  	_ =	shalt  }
0x5f: {  	_ =	shalt  }
0x60: {  	_ =	shalt  }
0x61: {  	_ =	shalt  }
0x62: {  	_ =	shalt  }
0x63: {  	_ =	shalt  }
0x64: {  	_ =	shalt  }
0x65: {  	_ =	shalt  }
0x66: {  	_ =	shalt  }
0x67: {  	_ =	shalt  }
0x68: {  	_ =	shalt  }
0x69: {  	_ =	shalt  }
0x6a: {  	_ =	shalt  }
0x6b: {  	_ =	shalt  }
0x6c: {  	_ =	shalt  }
0x6d: {  	_ =	shalt  }
0x6e: {  	_ =	shalt  }
0x6f: {  	_ =	shalt  }
0x70: {  	_ =	shalt  }
0x71: {  	_ =	shalt  }
0x72: {  	_ =	shalt  }
0x73: {  	_ =	shalt  }
0x74: {  	_ =	shalt  }
0x75: {  	_ =	shalt  }
0x76: {  	_ =	shalt  }
0x77: {  	_ =	shalt  }
0x78: {  	_ =	shalt  }
0x79: {  	_ =	shalt  }
0x7a: {  	_ =	shalt  }
0x7b: {  	_ =	shalt  }
0x7c: {  	_ =	shalt  }
0x7d: {  	_ =	shalt  }
0x7e: {  	_ =	shalt  }
0x7f: {  	_ =	shalt  }
0x80: {  	_ =	shalt  }
0x81: {  	_ =	shalt  }
0x82: {  	_ =	shalt  }
0x83: {  	_ =	shalt  }
0x84: {  	_ =	shalt  }
0x85: {  	_ =	shalt  }
0x86: {  	_ =	shalt  }
0x87: {  	_ =	shalt  }
.Lfunc_end0:
.L_simem_size_0:
called_computation_lowered:
.L_overlay_start_0:
0x88: {  	s2 =	sld [smem:$0x3FD9]  }
0x89: {  	s3 =	sld [smem:$0x3FFE];
	_ =	sdelay $0x1  }
0x8a: {  	s1 =	srdreg.scid  }
0x8b: {  	s0 =	sand.u32 $0x1, s1  }
0x8c: {  	s18 =	sshll.u32 s0, $0xA;
	s2 =	sadd.s32 s3, s2  }
0x8d: {  	s2 =	sadd.s32 s2, s18  }
0x8e: {  	[smem:$0x3FC6] =	sst s2  }
0x8f: {  	_ = 	snop  }
0x90: {  	s2 =	sld [smem:$0x3FC9]  }
0x91: {  	s19 =	sld [smem:$0x3FC8]  }
0x92: {  	s4 =	sld [smem:$0x3FD0];
	(tm) =	ssettm $0x1  }
0x93: {  	s5 =	sld [smem:$0x3FFB];
	_ =	sdelay $0x3  }
0x94: {  	_ =	strace s5  }
0x95: {  	s5 =	sld [smem:$0x3FFC];
	_ =	sdelay $0x3  }
0x96: {  	_ =	strace s5  }
0x97: {  	s5 =	sld [smem:$0x3FFD];
	_ =	sdelay $0x3  }
0x98: {  	_ =	strace s5  }
0x99: {  	_ =	strace $0x8FFFFFFF  }
0x9a: {  	s20 =	sld [smem:$0x3FDB];
	_ =	sdelay $0x1  }
0x9b: {  	s6 =	simm.s32 $_scs_section_size  }
0x9c: {  	s7 =	simm.s32 $_size__tile_overlayer_lowered;
	s8 =	simm.s32 $_tile_overlayer_lowered  }
0x9d: {  	s23 =	simm.s32 $0x1BFF;
	s22 =	sshll.u32 s8, $0x1;
	s5 =	sadd.s32 s6, s20  }
0x9e: {  	s9 =	simm.s32 $0x0;
	s21 =	sshll.u32 s7, $0x1;
	s7 =	sadd.s32 s22, s5  }
0x9f: {  	[timem:s9], [sflag:s23] =	dma.local [hbm:s7], s21  }
0xa0: {  	_ =	swait.ge [sflag:s23], s21  }
0xa1: {  	s6 =	ssub.s32 $0x0, s21;
	[sflag:s23] =	ssyncset.done $0x0  }
0xa2: {  	[sflag:s23] =	ssyncadd.s32 s6;
	_ =	sdelay $0x1  }
0xa3: {  	s24 =	simm.s32 $0x1B8B  }
0xa4: {  	_ =	swait.ge [sflag:s24], $0x1  }
0xa5: {  	[sflag:s24] =	ssyncset.done $0x0  }
0xa6: {  	s25 =	simm.s32 $0x1B8E;
	[sflag:s24] =	ssyncadd.s32 $0xFFFFFFFF  }
0xa7: {  	s26 =	simm.s32 $execute0_lowered;
	[smem:$0x3FD2] =	sst s25  }
0xa8: {  	s6 =	sshll.u32 s26, $0x1;
	_ =	strace $0x80000046;
	[dreg:$0x1] =	wrdreg $0xFFFFFFFF  }
0xa9: {  	s28 =	simm.s32 $_size_execute0_lowered;
	s5 =	sadd.s32 s5, s6;
	[dreg:$0x0] =	wrdreg $0x0  }
0xaa: {  	s6 =	sshll.u32 s28, $0x1;
	[dreg:$0x2] =	wrdreg s5  }
0xab: {  	[dreg:$0x3] =	wrdreg s6  }
0xac: {  	[dreg:$0x4] =	wrdreg $0xC0  }
0xad: {  	_ =	task [dreg:s9], $0x5FFFF  }
0xae: {  	[dreg:$0x1] =	wrdreg $0xFFFFFFFF  }
0xaf: {  	[dreg:$0x0] =	wrdreg $0x60  }
0xb0: {  	[dreg:$0x2] =	wrdreg s2  }
0xb1: {  	[dreg:$0x3] =	wrdreg s19  }
0xb2: {  	[dreg:$0x4] =	wrdreg s4  }
0xb3: {  	[dreg:$0x5] =	wrdreg $0x9  }
0xb4: {  	_ =	task.clear_ibuf [dreg:s9], $0x6FFFF;
	_ =	strace $0x90000046  }
0xb5: {  	s29 =	simm.s32 $0x9;
	_ =	strace $0x80000048  }
0xb6: {  	_ =	swait.ge [sflag:s29], $0x1  }
0xb7: {  	[sflag:s29] =	ssyncadd.s32 $0xFFFFFFFF  }
0xb8: {  	_ =	strace $0x90000048  }
0xb9: {  	_ =	sfence  }
0xba: {  	s30 =	sld [smem:$0x0];
	_ =	sdelay $0x2  }
0xbb: {  	s31 =	sshll.u32 s1, $0xD;
	s1 =	sshrl.u32 s1, $0x2  }
0xbc: {  	s3 =	sand.u32 $0x4000, s31;
	s1 =	sadd.s32 s1, s30  }
0xbd: {  	s0 =	sor.u32 s3, s0;
	s1 =	sshll.u32 s1, $0x11  }
0xbe: {  	s0 =	sor.u32 s1, s0  }
0xbf: {  	s0 =	sadd.s32 $0x8F2B, s0  }
0xc0: {  	[sflag:s0] =	ssyncadd.remote.s32 $0x1  }
0xc1: {  	_ =	sfence.sel $0xFFFF  }
0xc2: {  	[dreg:$0x0] =	wrdreg $0xFFFFFFFF;
	(pc) =	sbr.abs _section_cstart, $3  }
0xc3: {  	[dreg:$0x1] =	wrdreg $0xFFFFFFFF  }
0xc4: {  	_ =	task.clear_ibuf [dreg:s9], $0x2FFFF;
	_ =	strace $0x9FFFFFFF  }
0xc5: {  	(tm) =	ssettm $0x7FFFFFFF  }
tec
execute0_lowered:
.L_overlay_start_1:
0x0: {  	(tag) =	ssettag $0x1  }
0x1: {  	s1 =	rddreg [dreg:$0x0]  }
0x2: {  	s7 =	rddreg [dreg:$0x1]  }
0x3: {  	s8 =	rddreg [dreg:$0x2]  }
0x4: {  	s0 =	rddreg [dreg:$0x3];
	s3 =	simm.s32 $0x0;
	s4 =	srdreg.scid  }
0x5: {  	s2 =	stileid.u32;
	s14 =	simm.s32 $0x2;
	s15 =	simm.s32 $0x80  }
0x6: {  	s16 =	simm.s32 $0x1C700;
	s17 =	simm.s32 $0x3;
	s18 =	simm.s32 $0x0  }
0x7: {  	[smem:$0x7FF] =	sst s3;
	s4 =	sand.u32 $0x1, s4;
	s5 =	sshll.u32 s2, $0x9  }
0x8: {  	s6 =	sshrl.u32 s2, $0x1;
	s31 =	sadd.s32 $0x2000, s8;
	_ =	strace $0x80000047  }
0x9: {  	s9 =	sshll.u32 s4, $0x8;
	s5 =	sand.u32 $0x200, s5;
	s10 =	smul.u32 $0xC3800, s6  }
0xa: {  	s4 =	ssub.s32 $0x2, s4;
	s6 =	sshll.u32 s6, $0x11;
	s9 =	sor.u32 s9, s5  }
0xb: {  	s28 =	sshrl.u32 s4, $0x1;
	s11 =	sor.u32 s10, s9;
	s12 =	sor.u32 s6, s9  }
0xc: {  	s13 =	ssub.s32 s4, s28;
	s9 =	sor.u32 $0x80, s9;
	s29 =	sshrl.u32 s11, $0x3  }
0xd: {  	s30 =	sshrl.u32 s12, $0x3;
	s10 =	sor.u32 s10, s9;
	s9 =	sor.u32 s6, s9  }
0xe: {  	s11 =	simm.s32 $0x400;
	s12 =	simm.s32 $0x4000;
	s4 =	sadd.s32 s7, s29  }
0xf: {  	s5 =	sadd.s32 s8, s30;
	s10 =	sshrl.u32 s10, $0x3;
	s9 =	sshrl.u32 s9, $0x3  }
0x10: {  	s6 =	sadd.s32 s30, s31;
	s7 =	sadd.s32 s7, s10;
	s8 =	sadd.s32 s8, s9  }
0x11: {  	s9 =	sadd.s32 s9, s31;
	s10 =	smax.u32 s13, $0x1;
	s13 =	simm.s32 $0x1  }
.LBB2_1:
0x12: {  	[tilespmem:s3], [sflag:$0x2] =	stream.linear.gather [hbm4b:s1+s3], $0x4000, $0x38;
	[tilespmem:$0x1E700] =	vst v63  }
0x13: {  	_ = 	snop  }
0x14: {  	[tilespmem:s12], [sflag:$0x1] =	stream.strided.gather [hbm4b:s4+s15], $0x18700, s11, s15, $0x38;
	[tilespmem:$0x1E700] =	vst v63  }
0x15: {  	_ =	swait.ge [sflag:s13], $0x18700  }
0x16: {  	[sflag:s13] =	ssyncset.done $0x0  }
0x17: {  	[sflag:s13] =	ssyncadd.s32 $0xFFFE7900  }
0x18: {  	_ =	swait.ge [sflag:s14], $0x4000  }
0x19: {  	[sflag:s14] =	ssyncset.done $0x0  }
0x1a: {  	[sflag:s14] =	ssyncadd.s32 $0xFFFFC000  }
0x1b: {  	v0 =	vld [tilespmem:s15+$0x70]  }
0x1c: {  	v1 =	vld [tilespmem:s15+$0xFFFFFF90]  }
0x1d: {  	v2 =	vld [tilespmem:s15+$0xFFFFFFA0]  }
0x1e: {  	v3 =	vld [tilespmem:s15+$0xFFFFFFB0]  }
0x1f: {  	v4 =	vld [tilespmem:s15+$0xFFFFFFC0]  }
0x20: {  	v5 =	vld [tilespmem:s15+$0xFFFFFFD0]  }
0x21: {  	v6 =	vld [tilespmem:s15+$0xFFFFFFE0]  }
0x22: {  	v7 =	vld [tilespmem:s15+$0xFFFFFFF0]  }
0x23: {  	v8 =	vld [tilespmem:s15+$0x0]  }
0x24: {  	v9 =	vld [tilespmem:s15+$0x10]  }
0x25: {  	v10 =	vld [tilespmem:s15+$0x20]  }
0x26: {  	v11 =	vld [tilespmem:s15+$0x30]  }
0x27: {  	v12 =	vld [tilespmem:s15+$0x40]  }
0x28: {  	v13 =	vld [tilespmem:s15+$0x50]  }
0x29: {  	v14 =	vld [tilespmem:s15+$0x60]  }
0x2a: {  	v15 =	vld [tilespmem:s15+$0xFFFFFF80]  }
0x2b: {  	v0 =	vld.idx.msk [tilespmem:v0+s12+$0x0], $0xffff  }
0x2c: {  	v1 =	vld.idx.msk [tilespmem:v1+s12+$0x0], $0xffff  }
0x2d: {  	v2 =	vld.idx.msk [tilespmem:v2+s12+$0x0], $0xffff  }
0x2e: {  	v3 =	vld.idx.msk [tilespmem:v3+s12+$0x0], $0xffff  }
0x2f: {  	v4 =	vld.idx.msk [tilespmem:v4+s12+$0x0], $0xffff  }
0x30: {  	s19 =	simm.s32 $0x1C780;
	v5 =	vld.idx.msk [tilespmem:v5+s12+$0x0], $0xffff  }
0x31: {  	v6 =	vld.idx.msk [tilespmem:v6+s12+$0x0], $0xffff;
	[tilespmem:s19+$0x70] =	vst v0  }
0x32: {  	v7 =	vld.idx.msk [tilespmem:v7+s12+$0x0], $0xffff;
	[tilespmem:s19+$0xFFFFFF90] =	vst v1  }
0x33: {  	v15 =	vld.idx.msk [tilespmem:v15+s12+$0x0], $0xffff;
	[tilespmem:s19+$0xFFFFFFA0] =	vst v2  }
0x34: {  	v8 =	vld.idx.msk [tilespmem:v8+s12+$0x0], $0xffff;
	[tilespmem:s19+$0xFFFFFFB0] =	vst v3  }
0x35: {  	[tilespmem:s19+$0xFFFFFFC0] =	vst v4;
	v0 =	vld.idx.msk [tilespmem:v9+s12+$0x0], $0xffff  }
0x36: {  	[tilespmem:s19+$0xFFFFFFD0] =	vst v5;
	v1 =	vld.idx.msk [tilespmem:v10+s12+$0x0], $0xffff  }
0x37: {  	[tilespmem:s19+$0xFFFFFFE0] =	vst v6;
	v2 =	vld.idx.msk [tilespmem:v11+s12+$0x0], $0xffff  }
0x38: {  	[tilespmem:s19+$0xFFFFFFF0] =	vst v7;
	v3 =	vld.idx.msk [tilespmem:v12+s12+$0x0], $0xffff  }
0x39: {  	[tilespmem:s19+$0xFFFFFF80] =	vst v15;
	v4 =	vld.idx.msk [tilespmem:v13+s12+$0x0], $0xffff  }
0x3a: {  	s20 =	simm.s32 $0x0;
	s21 =	simm.s32 $0x180;
	[tilespmem:s19+$0x0] =	vst v8;
	v5 =	vld.idx.msk [tilespmem:v14+s12+$0x0], $0xffff  }
.LBB2_2:
0x3b: {  	v6 =	vld [tilespmem:s21+$0x70];
	s20 =	sadd.s32 $0x10, s20;
	[tilespmem:s19+$0x10] =	vst v0  }
0x3c: {  	v0 =	vld [tilespmem:s21+$0xFFFFFF90];
	p0 =	slt.u32 s20, $0x1F0;
	[tilespmem:s19+$0x20] =	vst v1  }
0x3d: {  	v1 =	vld [tilespmem:s21+$0xFFFFFFA0];
	[tilespmem:s19+$0x30] =	vst v2  }
0x3e: {  	v2 =	vld [tilespmem:s21+$0xFFFFFFB0];
	[tilespmem:s19+$0x40] =	vst v3  }
0x3f: {  	v3 =	vld [tilespmem:s21+$0xFFFFFFC0];
	[tilespmem:s19+$0x50] =	vst v4  }
0x40: {  	v4 =	vld [tilespmem:s21+$0xFFFFFFD0];
	[tilespmem:s19+$0x60] =	vst v5  }
0x41: {  	v5 =	vld [tilespmem:s21+$0xFFFFFFE0]  }
0x42: {  	v7 =	vld [tilespmem:s21+$0xFFFFFFF0]  }
0x43: {  	v6 =	vld.idx.msk [tilespmem:v6+s12+$0x0], $0xffff  }
0x44: {  	v8 =	vld [tilespmem:s21+$0x0]  }
0x45: {  	v9 =	vld [tilespmem:s21+$0x10]  }
0x46: {  	v10 =	vld [tilespmem:s21+$0x20]  }
0x47: {  	v11 =	vld [tilespmem:s21+$0x30]  }
0x48: {  	s19 =	sadd.s32 $0x100, s19;
	v12 =	vld [tilespmem:s21+$0x40]  }
0x49: {  	v13 =	vld [tilespmem:s21+$0x50];
	[tilespmem:s19+$0x70] =	vst v6  }
0x4a: {  	v6 =	vld [tilespmem:s21+$0x60]  }
0x4b: {  	v14 =	vld [tilespmem:s21+$0xFFFFFF80]  }
0x4c: {  	v0 =	vld.idx.msk [tilespmem:v0+s12+$0x0], $0xffff  }
0x4d: {  	v1 =	vld.idx.msk [tilespmem:v1+s12+$0x0], $0xffff  }
0x4e: {  	v2 =	vld.idx.msk [tilespmem:v2+s12+$0x0], $0xffff  }
0x4f: {  	v3 =	vld.idx.msk [tilespmem:v3+s12+$0x0], $0xffff  }
0x50: {  	v4 =	vld.idx.msk [tilespmem:v4+s12+$0x0], $0xffff  }
0x51: {  	v5 =	vld.idx.msk [tilespmem:v5+s12+$0x0], $0xffff  }
0x52: {  	[tilespmem:s19+$0xFFFFFF90] =	vst v0;
	v7 =	vld.idx.msk [tilespmem:v7+s12+$0x0], $0xffff  }
0x53: {  	v14 =	vld.idx.msk [tilespmem:v14+s12+$0x0], $0xffff;
	[tilespmem:s19+$0xFFFFFFA0] =	vst v1  }
0x54: {  	[tilespmem:s19+$0xFFFFFFB0] =	vst v2;
	v8 =	vld.idx.msk [tilespmem:v8+s12+$0x0], $0xffff  }
0x55: {  	[tilespmem:s19+$0xFFFFFFC0] =	vst v3;
	v0 =	vld.idx.msk [tilespmem:v9+s12+$0x0], $0xffff  }
.Ltmp0:
0x56: {  	[tilespmem:s19+$0xFFFFFFD0] =	vst v4;
	v1 =	vld.idx.msk [tilespmem:v10+s12+$0x0], $0xffff;
	(pc) =	sbr.rel @p0 .LBB2_2-.Ltmp0, $4  }
0x57: {  	[tilespmem:s19+$0xFFFFFFE0] =	vst v5;
	v2 =	vld.idx.msk [tilespmem:v11+s12+$0x0], $0xffff  }
0x58: {  	[tilespmem:s19+$0xFFFFFFF0] =	vst v7;
	v3 =	vld.idx.msk [tilespmem:v12+s12+$0x0], $0xffff  }
0x59: {  	[tilespmem:s19+$0xFFFFFF80] =	vst v14;
	v4 =	vld.idx.msk [tilespmem:v13+s12+$0x0], $0xffff  }
0x5a: {  	s21 =	sadd.s32 $0x100, s21;
	[tilespmem:s19+$0x0] =	vst v8;
	v5 =	vld.idx.msk [tilespmem:v6+s12+$0x0], $0xffff  }
0x5b: {  	[tilespmem:s19+$0x10] =	vst v0  }
0x5c: {  	[tilespmem:s19+$0x20] =	vst v1  }
0x5d: {  	[tilespmem:s19+$0x30] =	vst v2  }
0x5e: {  	[tilespmem:s19+$0x40] =	vst v3  }
0x5f: {  	[tilespmem:s19+$0x50] =	vst v4  }
0x60: {  	[tilespmem:s19+$0x60] =	vst v5  }
0x61: {  	[hbm4b:s5+s15] =	stream.strided.scatter [tilespmem:s16], [sflag:$0x3], $0x2000, s11, s15, $0x38;
	[tilespmem:$0x1E700] =	vst v63  }
0x62: {  	_ =	swait.ge [sflag:s17], $0x2000  }
0x63: {  	[sflag:s17] =	ssyncset.done $0x0  }
0x64: {  	s31 =	simm.s32 $0x20F0;
	[sflag:s17] =	ssyncadd.s32 $0xFFFFE000  }
0x65: {  	v0 =	vld [tilespmem:s31+$0x0]  }
0x66: {  	v1 =	vld [tilespmem:s31+$0xFFFFFF20]  }
0x67: {  	v2 =	vld [tilespmem:s31+$0xFFFFFF30]  }
0x68: {  	v3 =	vld [tilespmem:s31+$0xFFFFFF40]  }
0x69: {  	v4 =	vld [tilespmem:s31+$0xFFFFFF50]  }
0x6a: {  	v5 =	vld [tilespmem:s31+$0xFFFFFF60]  }
0x6b: {  	v6 =	vld [tilespmem:s31+$0xFFFFFF70]  }
0x6c: {  	v7 =	vld [tilespmem:s31+$0xFFFFFF80]  }
0x6d: {  	v8 =	vld [tilespmem:s31+$0xFFFFFF90]  }
0x6e: {  	v9 =	vld [tilespmem:s31+$0xFFFFFFA0]  }
0x6f: {  	v10 =	vld [tilespmem:s31+$0xFFFFFFB0]  }
0x70: {  	v11 =	vld [tilespmem:s31+$0xFFFFFFC0]  }
0x71: {  	v12 =	vld [tilespmem:s31+$0xFFFFFFD0]  }
0x72: {  	v13 =	vld [tilespmem:s31+$0xFFFFFFE0]  }
0x73: {  	v14 =	vld [tilespmem:s31+$0xFFFFFFF0]  }
0x74: {  	v15 =	vld [tilespmem:s31+$0xFFFFFF10]  }
0x75: {  	v0 =	vld.idx.msk [tilespmem:v0+s12+$0x0], $0xffff  }
0x76: {  	v1 =	vld.idx.msk [tilespmem:v1+s12+$0x0], $0xffff  }
0x77: {  	v2 =	vld.idx.msk [tilespmem:v2+s12+$0x0], $0xffff  }
0x78: {  	v3 =	vld.idx.msk [tilespmem:v3+s12+$0x0], $0xffff  }
0x79: {  	v4 =	vld.idx.msk [tilespmem:v4+s12+$0x0], $0xffff  }
0x7a: {  	s19 =	simm.s32 $0x1C780;
	v5 =	vld.idx.msk [tilespmem:v5+s12+$0x0], $0xffff  }
0x7b: {  	v6 =	vld.idx.msk [tilespmem:v6+s12+$0x0], $0xffff;
	[tilespmem:s19+$0x70] =	vst v0  }
0x7c: {  	v7 =	vld.idx.msk [tilespmem:v7+s12+$0x0], $0xffff;
	[tilespmem:s19+$0xFFFFFF90] =	vst v1  }
0x7d: {  	v15 =	vld.idx.msk [tilespmem:v15+s12+$0x0], $0xffff;
	[tilespmem:s19+$0xFFFFFFA0] =	vst v2  }
0x7e: {  	v8 =	vld.idx.msk [tilespmem:v8+s12+$0x0], $0xffff;
	[tilespmem:s19+$0xFFFFFFB0] =	vst v3  }
0x7f: {  	[tilespmem:s19+$0xFFFFFFC0] =	vst v4;
	v0 =	vld.idx.msk [tilespmem:v9+s12+$0x0], $0xffff  }
0x80: {  	[tilespmem:s19+$0xFFFFFFD0] =	vst v5;
	v1 =	vld.idx.msk [tilespmem:v10+s12+$0x0], $0xffff  }
0x81: {  	[tilespmem:s19+$0xFFFFFFE0] =	vst v6;
	v2 =	vld.idx.msk [tilespmem:v11+s12+$0x0], $0xffff  }
0x82: {  	[tilespmem:s19+$0xFFFFFFF0] =	vst v7;
	v3 =	vld.idx.msk [tilespmem:v12+s12+$0x0], $0xffff  }
0x83: {  	[tilespmem:s19+$0xFFFFFF80] =	vst v15;
	v4 =	vld.idx.msk [tilespmem:v13+s12+$0x0], $0xffff  }
0x84: {  	s20 =	simm.s32 $0x0;
	s21 =	simm.s32 $0x21F0;
	[tilespmem:s19+$0x0] =	vst v8;
	v5 =	vld.idx.msk [tilespmem:v14+s12+$0x0], $0xffff  }
.LBB2_4:
0x85: {  	v6 =	vld [tilespmem:s21+$0x0];
	s20 =	sadd.s32 $0x10, s20;
	[tilespmem:s19+$0x10] =	vst v0  }
0x86: {  	v0 =	vld [tilespmem:s21+$0xFFFFFF20];
	p0 =	slt.u32 s20, $0x1F0;
	[tilespmem:s19+$0x20] =	vst v1  }
0x87: {  	v1 =	vld [tilespmem:s21+$0xFFFFFF30];
	[tilespmem:s19+$0x30] =	vst v2  }
0x88: {  	v2 =	vld [tilespmem:s21+$0xFFFFFF40];
	[tilespmem:s19+$0x40] =	vst v3  }
0x89: {  	v3 =	vld [tilespmem:s21+$0xFFFFFF50];
	[tilespmem:s19+$0x50] =	vst v4  }
0x8a: {  	v4 =	vld [tilespmem:s21+$0xFFFFFF60];
	[tilespmem:s19+$0x60] =	vst v5  }
0x8b: {  	v5 =	vld [tilespmem:s21+$0xFFFFFF70]  }
0x8c: {  	v7 =	vld [tilespmem:s21+$0xFFFFFF80]  }
0x8d: {  	v6 =	vld.idx.msk [tilespmem:v6+s12+$0x0], $0xffff  }
0x8e: {  	v8 =	vld [tilespmem:s21+$0xFFFFFF90]  }
0x8f: {  	v9 =	vld [tilespmem:s21+$0xFFFFFFA0]  }
0x90: {  	v10 =	vld [tilespmem:s21+$0xFFFFFFB0]  }
0x91: {  	v11 =	vld [tilespmem:s21+$0xFFFFFFC0]  }
0x92: {  	s19 =	sadd.s32 $0x100, s19;
	v12 =	vld [tilespmem:s21+$0xFFFFFFD0]  }
0x93: {  	v13 =	vld [tilespmem:s21+$0xFFFFFFE0];
	[tilespmem:s19+$0x70] =	vst v6  }
0x94: {  	v6 =	vld [tilespmem:s21+$0xFFFFFFF0]  }
0x95: {  	v14 =	vld [tilespmem:s21+$0xFFFFFF10]  }
0x96: {  	v0 =	vld.idx.msk [tilespmem:v0+s12+$0x0], $0xffff  }
0x97: {  	v1 =	vld.idx.msk [tilespmem:v1+s12+$0x0], $0xffff  }
0x98: {  	v2 =	vld.idx.msk [tilespmem:v2+s12+$0x0], $0xffff  }
0x99: {  	v3 =	vld.idx.msk [tilespmem:v3+s12+$0x0], $0xffff  }
0x9a: {  	v4 =	vld.idx.msk [tilespmem:v4+s12+$0x0], $0xffff  }
0x9b: {  	v5 =	vld.idx.msk [tilespmem:v5+s12+$0x0], $0xffff  }
0x9c: {  	[tilespmem:s19+$0xFFFFFF90] =	vst v0;
	v7 =	vld.idx.msk [tilespmem:v7+s12+$0x0], $0xffff  }
0x9d: {  	v14 =	vld.idx.msk [tilespmem:v14+s12+$0x0], $0xffff;
	[tilespmem:s19+$0xFFFFFFA0] =	vst v1  }
0x9e: {  	[tilespmem:s19+$0xFFFFFFB0] =	vst v2;
	v8 =	vld.idx.msk [tilespmem:v8+s12+$0x0], $0xffff  }
0x9f: {  	[tilespmem:s19+$0xFFFFFFC0] =	vst v3;
	v0 =	vld.idx.msk [tilespmem:v9+s12+$0x0], $0xffff  }
.Ltmp1:
0xa0: {  	[tilespmem:s19+$0xFFFFFFD0] =	vst v4;
	v1 =	vld.idx.msk [tilespmem:v10+s12+$0x0], $0xffff;
	(pc) =	sbr.rel @p0 .LBB2_4-.Ltmp1, $4  }
0xa1: {  	[tilespmem:s19+$0xFFFFFFE0] =	vst v5;
	v2 =	vld.idx.msk [tilespmem:v11+s12+$0x0], $0xffff  }
0xa2: {  	[tilespmem:s19+$0xFFFFFFF0] =	vst v7;
	v3 =	vld.idx.msk [tilespmem:v12+s12+$0x0], $0xffff  }
0xa3: {  	[tilespmem:s19+$0xFFFFFF80] =	vst v14;
	v4 =	vld.idx.msk [tilespmem:v13+s12+$0x0], $0xffff  }
0xa4: {  	s21 =	sadd.s32 $0x100, s21;
	[tilespmem:s19+$0x0] =	vst v8;
	v5 =	vld.idx.msk [tilespmem:v6+s12+$0x0], $0xffff  }
0xa5: {  	[tilespmem:s19+$0x10] =	vst v0  }
0xa6: {  	[tilespmem:s19+$0x20] =	vst v1  }
0xa7: {  	[tilespmem:s19+$0x30] =	vst v2  }
0xa8: {  	[tilespmem:s19+$0x40] =	vst v3  }
0xa9: {  	[tilespmem:s19+$0x50] =	vst v4  }
0xaa: {  	s31 =	simm.s32 $0x80;
	[tilespmem:s19+$0x60] =	vst v5  }
0xab: {  	[hbm4b:s6+s31] =	stream.strided.scatter [tilespmem:s16], [sflag:$0x3], $0x2000, s11, s31, $0x38;
	[tilespmem:$0x1E700] =	vst v63  }
0xac: {  	_ =	swait.ge [sflag:s17], $0x2000  }
0xad: {  	[sflag:s17] =	ssyncset.done $0x0  }
0xae: {  	[sflag:s17] =	ssyncadd.s32 $0xFFFFE000  }
0xaf: {  	[tilespmem:s12], [sflag:$0x1] =	stream.strided.gather [hbm4b:s7+s31], $0x18700, s11, s31, $0x38;
	[tilespmem:$0x1E700] =	vst v63  }
0xb0: {  	_ =	swait.ge [sflag:s13], $0x18700  }
0xb1: {  	[sflag:s13] =	ssyncset.done $0x0  }
0xb2: {  	[sflag:s13] =	ssyncadd.s32 $0xFFFE7900  }
0xb3: {  	v0 =	vld [tilespmem:s31+$0x70]  }
0xb4: {  	v1 =	vld [tilespmem:s31+$0xFFFFFF90]  }
0xb5: {  	v2 =	vld [tilespmem:s31+$0xFFFFFFA0]  }
0xb6: {  	v3 =	vld [tilespmem:s31+$0xFFFFFFB0]  }
0xb7: {  	v4 =	vld [tilespmem:s31+$0xFFFFFFC0]  }
0xb8: {  	v5 =	vld [tilespmem:s31+$0xFFFFFFD0]  }
0xb9: {  	v6 =	vld [tilespmem:s31+$0xFFFFFFE0]  }
0xba: {  	v7 =	vld [tilespmem:s31+$0xFFFFFFF0]  }
0xbb: {  	v8 =	vld [tilespmem:s31+$0x0]  }
0xbc: {  	v9 =	vld [tilespmem:s31+$0x10]  }
0xbd: {  	v10 =	vld [tilespmem:s31+$0x20]  }
0xbe: {  	v11 =	vld [tilespmem:s31+$0x30]  }
0xbf: {  	v12 =	vld [tilespmem:s31+$0x40]  }
0xc0: {  	v13 =	vld [tilespmem:s31+$0x50]  }
0xc1: {  	v14 =	vld [tilespmem:s31+$0x60]  }
0xc2: {  	v15 =	vld [tilespmem:s31+$0xFFFFFF80]  }
0xc3: {  	v0 =	vld.idx.msk [tilespmem:v0+s12+$0x0], $0xffff  }
0xc4: {  	v1 =	vld.idx.msk [tilespmem:v1+s12+$0x0], $0xffff  }
0xc5: {  	v2 =	vld.idx.msk [tilespmem:v2+s12+$0x0], $0xffff  }
0xc6: {  	v3 =	vld.idx.msk [tilespmem:v3+s12+$0x0], $0xffff  }
0xc7: {  	v4 =	vld.idx.msk [tilespmem:v4+s12+$0x0], $0xffff  }
0xc8: {  	s19 =	simm.s32 $0x1C780;
	v5 =	vld.idx.msk [tilespmem:v5+s12+$0x0], $0xffff  }
0xc9: {  	v6 =	vld.idx.msk [tilespmem:v6+s12+$0x0], $0xffff;
	[tilespmem:s19+$0x70] =	vst v0  }
0xca: {  	v7 =	vld.idx.msk [tilespmem:v7+s12+$0x0], $0xffff;
	[tilespmem:s19+$0xFFFFFF90] =	vst v1  }
0xcb: {  	v15 =	vld.idx.msk [tilespmem:v15+s12+$0x0], $0xffff;
	[tilespmem:s19+$0xFFFFFFA0] =	vst v2  }
0xcc: {  	v8 =	vld.idx.msk [tilespmem:v8+s12+$0x0], $0xffff;
	[tilespmem:s19+$0xFFFFFFB0] =	vst v3  }
0xcd: {  	[tilespmem:s19+$0xFFFFFFC0] =	vst v4;
	v0 =	vld.idx.msk [tilespmem:v9+s12+$0x0], $0xffff  }
0xce: {  	[tilespmem:s19+$0xFFFFFFD0] =	vst v5;
	v1 =	vld.idx.msk [tilespmem:v10+s12+$0x0], $0xffff  }
0xcf: {  	[tilespmem:s19+$0xFFFFFFE0] =	vst v6;
	v2 =	vld.idx.msk [tilespmem:v11+s12+$0x0], $0xffff  }
0xd0: {  	[tilespmem:s19+$0xFFFFFFF0] =	vst v7;
	v3 =	vld.idx.msk [tilespmem:v12+s12+$0x0], $0xffff  }
0xd1: {  	[tilespmem:s19+$0xFFFFFF80] =	vst v15;
	v4 =	vld.idx.msk [tilespmem:v13+s12+$0x0], $0xffff  }
0xd2: {  	s20 =	simm.s32 $0x0;
	s21 =	simm.s32 $0x180;
	[tilespmem:s19+$0x0] =	vst v8;
	v5 =	vld.idx.msk [tilespmem:v14+s12+$0x0], $0xffff  }
.LBB2_6:
0xd3: {  	v6 =	vld [tilespmem:s21+$0x70];
	s20 =	sadd.s32 $0x10, s20;
	[tilespmem:s19+$0x10] =	vst v0  }
0xd4: {  	v0 =	vld [tilespmem:s21+$0xFFFFFF90];
	p0 =	slt.u32 s20, $0x1F0;
	[tilespmem:s19+$0x20] =	vst v1  }
0xd5: {  	v1 =	vld [tilespmem:s21+$0xFFFFFFA0];
	[tilespmem:s19+$0x30] =	vst v2  }
0xd6: {  	v2 =	vld [tilespmem:s21+$0xFFFFFFB0];
	[tilespmem:s19+$0x40] =	vst v3  }
0xd7: {  	v3 =	vld [tilespmem:s21+$0xFFFFFFC0];
	[tilespmem:s19+$0x50] =	vst v4  }
0xd8: {  	v4 =	vld [tilespmem:s21+$0xFFFFFFD0];
	[tilespmem:s19+$0x60] =	vst v5  }
0xd9: {  	v5 =	vld [tilespmem:s21+$0xFFFFFFE0]  }
0xda: {  	v7 =	vld [tilespmem:s21+$0xFFFFFFF0]  }
0xdb: {  	v6 =	vld.idx.msk [tilespmem:v6+s12+$0x0], $0xffff  }
0xdc: {  	v8 =	vld [tilespmem:s21+$0x0]  }
0xdd: {  	v9 =	vld [tilespmem:s21+$0x10]  }
0xde: {  	v10 =	vld [tilespmem:s21+$0x20]  }
0xdf: {  	v11 =	vld [tilespmem:s21+$0x30]  }
0xe0: {  	s19 =	sadd.s32 $0x100, s19;
	v12 =	vld [tilespmem:s21+$0x40]  }
0xe1: {  	v13 =	vld [tilespmem:s21+$0x50];
	[tilespmem:s19+$0x70] =	vst v6  }
0xe2: {  	v6 =	vld [tilespmem:s21+$0x60]  }
0xe3: {  	v14 =	vld [tilespmem:s21+$0xFFFFFF80]  }
0xe4: {  	v0 =	vld.idx.msk [tilespmem:v0+s12+$0x0], $0xffff  }
0xe5: {  	v1 =	vld.idx.msk [tilespmem:v1+s12+$0x0], $0xffff  }
0xe6: {  	v2 =	vld.idx.msk [tilespmem:v2+s12+$0x0], $0xffff  }
0xe7: {  	v3 =	vld.idx.msk [tilespmem:v3+s12+$0x0], $0xffff  }
0xe8: {  	v4 =	vld.idx.msk [tilespmem:v4+s12+$0x0], $0xffff  }
0xe9: {  	v5 =	vld.idx.msk [tilespmem:v5+s12+$0x0], $0xffff  }
0xea: {  	[tilespmem:s19+$0xFFFFFF90] =	vst v0;
	v7 =	vld.idx.msk [tilespmem:v7+s12+$0x0], $0xffff  }
0xeb: {  	v14 =	vld.idx.msk [tilespmem:v14+s12+$0x0], $0xffff;
	[tilespmem:s19+$0xFFFFFFA0] =	vst v1  }
0xec: {  	[tilespmem:s19+$0xFFFFFFB0] =	vst v2;
	v8 =	vld.idx.msk [tilespmem:v8+s12+$0x0], $0xffff  }
0xed: {  	[tilespmem:s19+$0xFFFFFFC0] =	vst v3;
	v0 =	vld.idx.msk [tilespmem:v9+s12+$0x0], $0xffff  }
.Ltmp2:
0xee: {  	[tilespmem:s19+$0xFFFFFFD0] =	vst v4;
	v1 =	vld.idx.msk [tilespmem:v10+s12+$0x0], $0xffff;
	(pc) =	sbr.rel @p0 .LBB2_6-.Ltmp2, $4  }
0xef: {  	[tilespmem:s19+$0xFFFFFFE0] =	vst v5;
	v2 =	vld.idx.msk [tilespmem:v11+s12+$0x0], $0xffff  }
0xf0: {  	[tilespmem:s19+$0xFFFFFFF0] =	vst v7;
	v3 =	vld.idx.msk [tilespmem:v12+s12+$0x0], $0xffff  }
0xf1: {  	[tilespmem:s19+$0xFFFFFF80] =	vst v14;
	v4 =	vld.idx.msk [tilespmem:v13+s12+$0x0], $0xffff  }
0xf2: {  	s21 =	sadd.s32 $0x100, s21;
	[tilespmem:s19+$0x0] =	vst v8;
	v5 =	vld.idx.msk [tilespmem:v6+s12+$0x0], $0xffff  }
0xf3: {  	[tilespmem:s19+$0x10] =	vst v0  }
0xf4: {  	[tilespmem:s19+$0x20] =	vst v1  }
0xf5: {  	[tilespmem:s19+$0x30] =	vst v2  }
0xf6: {  	[tilespmem:s19+$0x40] =	vst v3  }
0xf7: {  	[tilespmem:s19+$0x50] =	vst v4  }
0xf8: {  	[tilespmem:s19+$0x60] =	vst v5  }
0xf9: {  	[hbm4b:s8+s15] =	stream.strided.scatter [tilespmem:s16], [sflag:$0x3], $0x2000, s11, s15, $0x38;
	[tilespmem:$0x1E700] =	vst v63  }
0xfa: {  	_ =	swait.ge [sflag:s17], $0x2000  }
0xfb: {  	[sflag:s17] =	ssyncset.done $0x0  }
0xfc: {  	s31 =	simm.s32 $0x20F0;
	[sflag:s17] =	ssyncadd.s32 $0xFFFFE000  }
0xfd: {  	v0 =	vld [tilespmem:s31+$0x0]  }
0xfe: {  	v1 =	vld [tilespmem:s31+$0xFFFFFF20]  }
0xff: {  	v2 =	vld [tilespmem:s31+$0xFFFFFF30]  }
0x100: {  	v3 =	vld [tilespmem:s31+$0xFFFFFF40]  }
0x101: {  	v4 =	vld [tilespmem:s31+$0xFFFFFF50]  }
0x102: {  	v5 =	vld [tilespmem:s31+$0xFFFFFF60]  }
0x103: {  	v6 =	vld [tilespmem:s31+$0xFFFFFF70]  }
0x104: {  	v7 =	vld [tilespmem:s31+$0xFFFFFF80]  }
0x105: {  	v8 =	vld [tilespmem:s31+$0xFFFFFF90]  }
0x106: {  	v9 =	vld [tilespmem:s31+$0xFFFFFFA0]  }
0x107: {  	v10 =	vld [tilespmem:s31+$0xFFFFFFB0]  }
0x108: {  	v11 =	vld [tilespmem:s31+$0xFFFFFFC0]  }
0x109: {  	v12 =	vld [tilespmem:s31+$0xFFFFFFD0]  }
0x10a: {  	v13 =	vld [tilespmem:s31+$0xFFFFFFE0]  }
0x10b: {  	v14 =	vld [tilespmem:s31+$0xFFFFFFF0]  }
0x10c: {  	v15 =	vld [tilespmem:s31+$0xFFFFFF10]  }
0x10d: {  	v0 =	vld.idx.msk [tilespmem:v0+s12+$0x0], $0xffff  }
0x10e: {  	v1 =	vld.idx.msk [tilespmem:v1+s12+$0x0], $0xffff  }
0x10f: {  	v2 =	vld.idx.msk [tilespmem:v2+s12+$0x0], $0xffff  }
0x110: {  	v3 =	vld.idx.msk [tilespmem:v3+s12+$0x0], $0xffff  }
0x111: {  	v4 =	vld.idx.msk [tilespmem:v4+s12+$0x0], $0xffff  }
0x112: {  	s19 =	simm.s32 $0x1C780;
	v5 =	vld.idx.msk [tilespmem:v5+s12+$0x0], $0xffff  }
0x113: {  	v6 =	vld.idx.msk [tilespmem:v6+s12+$0x0], $0xffff;
	[tilespmem:s19+$0x70] =	vst v0  }
0x114: {  	v7 =	vld.idx.msk [tilespmem:v7+s12+$0x0], $0xffff;
	[tilespmem:s19+$0xFFFFFF90] =	vst v1  }
0x115: {  	v15 =	vld.idx.msk [tilespmem:v15+s12+$0x0], $0xffff;
	[tilespmem:s19+$0xFFFFFFA0] =	vst v2  }
0x116: {  	v8 =	vld.idx.msk [tilespmem:v8+s12+$0x0], $0xffff;
	[tilespmem:s19+$0xFFFFFFB0] =	vst v3  }
0x117: {  	[tilespmem:s19+$0xFFFFFFC0] =	vst v4;
	v0 =	vld.idx.msk [tilespmem:v9+s12+$0x0], $0xffff  }
0x118: {  	[tilespmem:s19+$0xFFFFFFD0] =	vst v5;
	v1 =	vld.idx.msk [tilespmem:v10+s12+$0x0], $0xffff  }
0x119: {  	[tilespmem:s19+$0xFFFFFFE0] =	vst v6;
	v2 =	vld.idx.msk [tilespmem:v11+s12+$0x0], $0xffff  }
0x11a: {  	[tilespmem:s19+$0xFFFFFFF0] =	vst v7;
	v3 =	vld.idx.msk [tilespmem:v12+s12+$0x0], $0xffff  }
0x11b: {  	[tilespmem:s19+$0xFFFFFF80] =	vst v15;
	v4 =	vld.idx.msk [tilespmem:v13+s12+$0x0], $0xffff  }
0x11c: {  	s20 =	simm.s32 $0x0;
	s21 =	simm.s32 $0x21F0;
	[tilespmem:s19+$0x0] =	vst v8;
	v5 =	vld.idx.msk [tilespmem:v14+s12+$0x0], $0xffff  }
.LBB2_8:
0x11d: {  	v6 =	vld [tilespmem:s21+$0x0];
	s20 =	sadd.s32 $0x10, s20;
	[tilespmem:s19+$0x10] =	vst v0  }
0x11e: {  	v0 =	vld [tilespmem:s21+$0xFFFFFF20];
	p0 =	slt.u32 s20, $0x1F0;
	[tilespmem:s19+$0x20] =	vst v1  }
0x11f: {  	v1 =	vld [tilespmem:s21+$0xFFFFFF30];
	[tilespmem:s19+$0x30] =	vst v2  }
0x120: {  	v2 =	vld [tilespmem:s21+$0xFFFFFF40];
	[tilespmem:s19+$0x40] =	vst v3  }
0x121: {  	v3 =	vld [tilespmem:s21+$0xFFFFFF50];
	[tilespmem:s19+$0x50] =	vst v4  }
0x122: {  	v4 =	vld [tilespmem:s21+$0xFFFFFF60];
	[tilespmem:s19+$0x60] =	vst v5  }
0x123: {  	v5 =	vld [tilespmem:s21+$0xFFFFFF70]  }
0x124: {  	v7 =	vld [tilespmem:s21+$0xFFFFFF80]  }
0x125: {  	v6 =	vld.idx.msk [tilespmem:v6+s12+$0x0], $0xffff  }
0x126: {  	v8 =	vld [tilespmem:s21+$0xFFFFFF90]  }
0x127: {  	v9 =	vld [tilespmem:s21+$0xFFFFFFA0]  }
0x128: {  	v10 =	vld [tilespmem:s21+$0xFFFFFFB0]  }
0x129: {  	v11 =	vld [tilespmem:s21+$0xFFFFFFC0]  }
0x12a: {  	s19 =	sadd.s32 $0x100, s19;
	v12 =	vld [tilespmem:s21+$0xFFFFFFD0]  }
0x12b: {  	v13 =	vld [tilespmem:s21+$0xFFFFFFE0];
	[tilespmem:s19+$0x70] =	vst v6  }
0x12c: {  	v6 =	vld [tilespmem:s21+$0xFFFFFFF0]  }
0x12d: {  	v14 =	vld [tilespmem:s21+$0xFFFFFF10]  }
0x12e: {  	v0 =	vld.idx.msk [tilespmem:v0+s12+$0x0], $0xffff  }
0x12f: {  	v1 =	vld.idx.msk [tilespmem:v1+s12+$0x0], $0xffff  }
0x130: {  	v2 =	vld.idx.msk [tilespmem:v2+s12+$0x0], $0xffff  }
0x131: {  	v3 =	vld.idx.msk [tilespmem:v3+s12+$0x0], $0xffff  }
0x132: {  	v4 =	vld.idx.msk [tilespmem:v4+s12+$0x0], $0xffff  }
0x133: {  	v5 =	vld.idx.msk [tilespmem:v5+s12+$0x0], $0xffff  }
0x134: {  	[tilespmem:s19+$0xFFFFFF90] =	vst v0;
	v7 =	vld.idx.msk [tilespmem:v7+s12+$0x0], $0xffff  }
0x135: {  	v14 =	vld.idx.msk [tilespmem:v14+s12+$0x0], $0xffff;
	[tilespmem:s19+$0xFFFFFFA0] =	vst v1  }
0x136: {  	[tilespmem:s19+$0xFFFFFFB0] =	vst v2;
	v8 =	vld.idx.msk [tilespmem:v8+s12+$0x0], $0xffff  }
0x137: {  	[tilespmem:s19+$0xFFFFFFC0] =	vst v3;
	v0 =	vld.idx.msk [tilespmem:v9+s12+$0x0], $0xffff  }
.Ltmp3:
0x138: {  	[tilespmem:s19+$0xFFFFFFD0] =	vst v4;
	v1 =	vld.idx.msk [tilespmem:v10+s12+$0x0], $0xffff;
	(pc) =	sbr.rel @p0 .LBB2_8-.Ltmp3, $4  }
0x139: {  	[tilespmem:s19+$0xFFFFFFE0] =	vst v5;
	v2 =	vld.idx.msk [tilespmem:v11+s12+$0x0], $0xffff  }
0x13a: {  	[tilespmem:s19+$0xFFFFFFF0] =	vst v7;
	v3 =	vld.idx.msk [tilespmem:v12+s12+$0x0], $0xffff  }
0x13b: {  	[tilespmem:s19+$0xFFFFFF80] =	vst v14;
	v4 =	vld.idx.msk [tilespmem:v13+s12+$0x0], $0xffff  }
0x13c: {  	s21 =	sadd.s32 $0x100, s21;
	[tilespmem:s19+$0x0] =	vst v8;
	v5 =	vld.idx.msk [tilespmem:v6+s12+$0x0], $0xffff  }
0x13d: {  	[tilespmem:s19+$0x10] =	vst v0  }
0x13e: {  	[tilespmem:s19+$0x20] =	vst v1  }
0x13f: {  	[tilespmem:s19+$0x30] =	vst v2  }
0x140: {  	s18 =	sadd.s32 $0x1, s18;
	[tilespmem:s19+$0x40] =	vst v3  }
0x141: {  	p0 =	sne.s32 s18, s10;
	[tilespmem:s19+$0x50] =	vst v4  }
.Ltmp4:
0x142: {  	[tilespmem:s19+$0x60] =	vst v5;
	(pc) =	sbr.rel @p0 .LBB2_1-.Ltmp4, $4  }
0x143: {  	[hbm4b:s9+s15] =	stream.strided.scatter [tilespmem:s16], [sflag:$0x3], $0x2000, s11, s15, $0x38;
	[tilespmem:$0x1E700] =	vst v63  }
0x144: {  	_ =	swait.ge [sflag:s17], $0x2000  }
0x145: {  	[sflag:s17] =	ssyncset.done $0x0  }
0x146: {  	[sflag:s17] =	ssyncadd.s32 $0xFFFFE000  }
0x147: {  	_ =	sfence.sel $0x180000  }
0x148: {  	[bflag:$0x0] =	sbarrier.arrive $0xFFFF  }
0x149: {  	p0 =	sne.s32 s2, $0x0;
	_ =	strace $0x90000047  }
0x14a: {  	s0 =	sadd.s32 @!p0 $0x100000, s0;
	[bflag:$0x2] =	sbarrier.arrive $0xFFFF  }
0x14b: {  	[sflag:s0] =	ssyncadd.tile.s32 @!p0 $0x1;
	_ =	shalt  }
.Lfunc_end2:
_tile_overlayer_lowered:
.L_overlay_start_2:
0x14c: {  	(tag) =	ssettag $0x2  }
0x14d: {  	s0 =	rddreg [dreg:$0x0];
	s2 =	stileid.u32  }
0x14e: {  	s1 =	rddreg [dreg:$0x1];
	p0 =	sne.s32 s2, $0x0  }
0x14f: {  	s3 =	rddreg [dreg:$0x2];
	[bflag:$0x3] =	sbarrier.arrive $0xFFFF;
	s2 =	simm.s32 @!p0 $0x1C03  }
0x150: {  	[timem:s3], [sflag:s2] =	dma.local @!p0 [hbm:s0], s1  }
0x151: {  	s0 =	simm.s32 @!p0 $0x3  }
0x152: {  	_ =	swait.ge @!p0 [sflag:s0], s1  }
0x153: {  	s1 =	ssub.s32 @!p0 $0x0, s1;
	[sflag:s0] =	ssyncset.done @!p0 $0x0  }
0x154: {  	[sflag:s0] =	ssyncadd.s32 @!p0 s1  }
0x155: {  	[bflag:$0x3] =	sbarrier.arrive $0xFFFF  }
0x156: {  	_ =	shalt  }

</sc_bundles>
